<compile_context>
chip_gen: v7x
topology: tpu7x:2x2x1
jax: 0.10.2.dev20260603
libtpu: 0.0.44.dev20260713+nightly
codegen_flags: <defaults>
</compile_context>

<pallas_src>
import functools

import jax
import jax.numpy as jnp
from jax import lax
from jax.experimental import pallas as pl
from jax.experimental.pallas import tpu as pltpu
from jax.experimental.pallas import tpu_sc as plsc

_CPAD = 128


def _sc_gather(xt, indexes, labels):
    n, b = xt.shape
    nw = 32
    bpw = b // nw
    mesh = plsc.VectorSubcoreMesh(core_axis_name="c", subcore_axis_name="s")

    @functools.partial(
        pl.kernel,
        mesh=mesh,
        out_type=[
            jax.ShapeDtypeStruct((b,), jnp.int32),
            jax.ShapeDtypeStruct((b,), jnp.float32),
        ],
        scratch_types=[
            pltpu.VMEM((bpw,), jnp.int32),
            pltpu.VMEM((bpw,), jnp.int32),
            pltpu.VMEM((bpw, 1024), jnp.float32),
            pltpu.VMEM((bpw,), jnp.float32),
            pltpu.SemaphoreType.DMA,
            pltpu.SemaphoreType.DMA,
        ],
    )
    def k(xt_hbm, idx_hbm, lab_hbm, y_hbm, xe_hbm,
          idx_v, y_v, rows_v, xe_v, sem, sem2):
        wid = lax.axis_index("s") * 2 + lax.axis_index("c")
        base = wid * bpw
        pltpu.sync_copy(idx_hbm.at[pl.ds(base, bpw)], idx_v)
        row_cp = pltpu.async_copy(xt_hbm.at[idx_v], rows_v, sem2)
        pltpu.async_copy(lab_hbm.at[idx_v], y_v, sem).wait()
        pltpu.sync_copy(y_v, y_hbm.at[pl.ds(base, bpw)])
        row_cp.wait()
        lane = lax.iota(jnp.int32, 16)
        for j in range(bpw // 16):
            start = base + j * 16
            acc = jnp.zeros((16,), jnp.float32)
            for t in range(16):
                v = rows_v[j * 16 + t, pl.ds(start, 16)]
                acc = jnp.where(lane == t, v, acc)
            xe_v[pl.ds(j * 16, 16)] = acc
        pltpu.sync_copy(xe_v, xe_hbm.at[pl.ds(base, bpw)])

    return k(xt, indexes, labels)


def _nca_tc(xt, labels_row, y_row, xe_row, block_n):
    n, b = xt.shape
    nblk = pl.cdiv(n, block_n)
    tail = n - (nblk - 1) * block_n

    def body(xt_ref, lab_ref, y_ref, xe_ref, out_ref, t_acc):
        k = pl.program_id(0)
        c_iota = lax.broadcasted_iota(jnp.int32, (_CPAD, 1), 0)

        @pl.when(k == 0)
        def _init():
            t_acc[...] = jnp.zeros_like(t_acc)

        e = jnp.exp(xt_ref[...])
        onehot = ((lab_ref[...] == c_iota) |
                  (c_iota == _CPAD - 1)).astype(jnp.bfloat16)

        @pl.when(k < nblk - 1)
        def _full():
            t_acc[...] += jnp.dot(onehot, e.astype(jnp.bfloat16),
                                  preferred_element_type=jnp.float32)

        @pl.when(k == nblk - 1)
        def _last():
            rows = lax.broadcasted_iota(jnp.int32, (block_n, 1), 0)
            e0 = jnp.where(rows >= tail, 0.0, e)
            t = t_acc[...] + jnp.dot(onehot, e0.astype(jnp.bfloat16),
                                     preferred_element_type=jnp.float32)
            es = jnp.exp(xe_ref[...])
            esb = es.astype(jnp.bfloat16).astype(jnp.float32)
            sel = y_ref[...] == c_iota
            p = jnp.sum(jnp.where(sel, t, 0.0), axis=0, keepdims=True) - esb
            z = t[_CPAD - 1:_CPAD, :] - esb
            prob = p / z
            nz = p != 0.0
            terms = jnp.where(nz, jnp.log(jnp.where(nz, prob, 1.0)), 0.0)
            out_ref[0, 0] = -jnp.sum(terms) / jnp.float32(b)

    out = pl.pallas_call(
        body,
        grid=(nblk,),
        in_specs=[
            pl.BlockSpec((block_n, b), lambda k: (k, 0)),
            pl.BlockSpec((1, block_n), lambda k: (0, k)),
            pl.BlockSpec((1, b), lambda k: (0, 0)),
            pl.BlockSpec((1, b), lambda k: (0, 0)),
        ],
        out_specs=pl.BlockSpec((1, 1), lambda k: (0, 0),
                               memory_space=pltpu.SMEM),
        out_shape=jax.ShapeDtypeStruct((1, 1), jnp.float32),
        scratch_shapes=[
            pltpu.VMEM((_CPAD, b), jnp.float32),
        ],
        compiler_params=pltpu.CompilerParams(
            dimension_semantics=("arbitrary",),
        ),
    )(xt, labels_row, y_row, xe_row)
    return out[0, 0]


def kernel(x, indexes, labels):
    b, n = x.shape
    xt = x.T
    y, xe = _sc_gather(xt, indexes, labels)
    return _nca_tc(xt, labels.reshape(1, n), y.reshape(1, b),
                   xe.reshape(1, b), block_n=2048)

# --- scband reference (transcript-rebuilt; emitter-appended) ---
"""Pipeline reference for scband-ncacross-entropy-24352464569138 (READ-ONLY COPY).

The authoritative reference and input builder live on the scoring server;
editing this copy changes nothing except your own understanding.
"""

import jax, jax.numpy as jnp
import numpy as np
import math

B = 1024
N = 100000
C = 100
MARGIN = 0.0


def setup_inputs(seed: int = 0) -> dict:
    key = jax.random.key(seed)
    k1, k2, k3 = jax.random.split(key, 3)
    x = jax.random.normal(k1, (B, N), dtype=jnp.float32)
    indexes = jax.random.randint(k2, (B,), 0, N, dtype=jnp.int32)
    labels = jax.random.randint(k3, (N,), 0, C, dtype=jnp.int32)
    return {"x": x, "indexes": indexes, "labels": labels}


def reference(x, indexes, labels):
    batch = x.shape[0]
    n = x.shape[1]
    exp = jnp.exp(x)
    # y = labels[indexes], compare against all labels -> same-class mask [B, N]
    y = jnp.take(labels, indexes, axis=0)[:, None]
    same = (y == labels[None, :]).astype(jnp.float32)
    # zero out self-similarity: scatter 0 at (row i, col indexes[i])
    exp = exp.at[jnp.arange(batch), indexes].set(0.0)
    p = jnp.sum(exp * same, axis=1)
    Z = jnp.sum(exp, axis=1)
    Z_exclude = Z - p
    p = p / math.exp(MARGIN)
    Z = Z_exclude + p
    prob = p / Z
    # masked_select(prob, prob != 0).log().sum()
    mask = prob != 0
    safe_prob = jnp.where(mask, prob, 1.0)
    loss = jnp.sum(jnp.where(mask, jnp.log(safe_prob), 0.0))
    return -loss / batch

if __name__ == "__main__":
    import jax
    _d = setup_inputs()
    print(jax.jit(kernel)(*tuple(_d.values())))

</pallas_src>

<mosaic_0001>
#map = affine_map<(d0, d1) -> (0, 0)>
#map1 = affine_map<(d0, d1) -> (0)>
module attributes {stable_mosaic.version = 14 : i64} {
  func.func @k(%arg0: i32, %arg1: i32, %arg2: memref<100000x1024xf32, #tpu.memory_space<hbm>>, %arg3: memref<1024xi32, #tpu.memory_space<hbm>>, %arg4: memref<100000xi32, #tpu.memory_space<hbm>>, %arg5: memref<1024xi32, #tpu.memory_space<hbm>>, %arg6: memref<1024xf32, #tpu.memory_space<hbm>>, %arg7: memref<32xi32, #tpu.memory_space<vmem>>, %arg8: memref<32xi32, #tpu.memory_space<vmem>>, %arg9: memref<32x1024xf32, #tpu.memory_space<vmem>>, %arg10: memref<32xf32, #tpu.memory_space<vmem>>, %arg11: memref<!tpu.dma_semaphore, #tpu.memory_space<semaphore_mem>>, %arg12: memref<!tpu.dma_semaphore, #tpu.memory_space<semaphore_mem>>) attributes {dimension_semantics = [#tpu.dimension_semantics<core_parallel>, #tpu.dimension_semantics<subcore_parallel>], iteration_bounds = array<i64: 2, 16>, scalar_prefetch = 0 : i64, scratch_operands = 6 : i64, tpu.core_type = #tpu.core_type<sc_vector_subcore>, window_params = [{transform_indices = #map}, {transform_indices = #map1}, {transform_indices = #map1}, {transform_indices = #map1}, {transform_indices = #map1}]} {
    %mul3A = arith.constant 2 : i32
    %mul3A_0 = arith.muli %arg1, %mul3A : i32
    %add3A = arith.addi %mul3A_0, %arg0 : i32
    %mul3A_1 = arith.constant 32 : i32
    %mul3A_2 = arith.muli %add3A, %mul3A_1 : i32
    "tpu.region"() ({
      %run_scoped3A = tpu.sem_alloc : memref<!tpu.dma_semaphore, #tpu.memory_space<semaphore_mem>>
      %dma_start3A_310 = tpu.memref_slice %arg3[%mul3A_2] : memref<1024xi32, #tpu.memory_space<hbm>> -> memref<32xi32, #tpu.memory_space<hbm>>
      %dma_start3A_311 = tpu.memref_slice %arg3[%mul3A_2] : memref<1024xi32, #tpu.memory_space<hbm>> -> memref<32xi32, #tpu.memory_space<hbm>>
      tpu.enqueue_dma source(%dma_start3A_311 : memref<32xi32, #tpu.memory_space<hbm>>) target(%arg7 : memref<32xi32, #tpu.memory_space<vmem>>) target_semaphore(%run_scoped3A : memref<!tpu.dma_semaphore, #tpu.memory_space<semaphore_mem>>)
      %dma_wait3A_312 = tpu.memref_slice %arg3[%mul3A_2] : memref<1024xi32, #tpu.memory_space<hbm>> -> memref<32xi32, #tpu.memory_space<hbm>>
      %dma_wait3A_313 = tpu.memref_slice %arg3[%mul3A_2] : memref<1024xi32, #tpu.memory_space<hbm>> -> memref<32xi32, #tpu.memory_space<hbm>>
      tpu.wait_dma2 semaphore(%run_scoped3A : memref<!tpu.dma_semaphore, #tpu.memory_space<semaphore_mem>>) src(%dma_wait3A_313 : memref<32xi32, #tpu.memory_space<hbm>>) dst(%arg7 : memref<32xi32, #tpu.memory_space<vmem>>)
      tpu.yield
    }) : () -> ()
    %dma_start3A = arith.constant 0 : i32
    %dma_start3A_3 = arith.constant 0 : i32
    %dma_start3A_4 = tpu.memref_slice %arg2[%dma_start3A, %dma_start3A_3] : memref<100000x1024xf32, #tpu.memory_space<hbm>> -> memref<100000x1024xf32, #tpu.memory_space<hbm>>
    tpu.enqueue_indirect_dma source(%dma_start3A_4 : memref<100000x1024xf32, #tpu.memory_space<hbm>>) target(%arg9 : memref<32x1024xf32, #tpu.memory_space<vmem>>) offsets(%arg7 : memref<32xi32, #tpu.memory_space<vmem>>) semaphore(%arg12 : memref<!tpu.dma_semaphore, #tpu.memory_space<semaphore_mem>>)
    %dma_start3A_5 = arith.constant 0 : i32
    %dma_start3A_6 = tpu.memref_slice %arg4[%dma_start3A_5] : memref<100000xi32, #tpu.memory_space<hbm>> -> memref<100000xi32, #tpu.memory_space<hbm>>
    tpu.enqueue_indirect_dma source(%dma_start3A_6 : memref<100000xi32, #tpu.memory_space<hbm>>) target(%arg8 : memref<32xi32, #tpu.memory_space<vmem>>) offsets(%arg7 : memref<32xi32, #tpu.memory_space<vmem>>) semaphore(%arg11 : memref<!tpu.dma_semaphore, #tpu.memory_space<semaphore_mem>>)
    %dma_wait3A = arith.constant 0 : i32
    %dma_wait3A_7 = tpu.memref_slice %arg4[%dma_wait3A] : memref<100000xi32, #tpu.memory_space<hbm>> -> memref<100000xi32, #tpu.memory_space<hbm>>
    tpu.wait_indirect_dma semaphore(%arg11 : memref<!tpu.dma_semaphore, #tpu.memory_space<semaphore_mem>>) src(%dma_wait3A_7 : memref<100000xi32, #tpu.memory_space<hbm>>) dst(%arg8 : memref<32xi32, #tpu.memory_space<vmem>>)
    "tpu.region"() ({
      %run_scoped3A = tpu.sem_alloc : memref<!tpu.dma_semaphore, #tpu.memory_space<semaphore_mem>>
      %dma_start3A_310 = tpu.memref_slice %arg5[%mul3A_2] : memref<1024xi32, #tpu.memory_space<hbm>> -> memref<32xi32, #tpu.memory_space<hbm>>
      %dma_start3A_311 = tpu.memref_slice %arg5[%mul3A_2] : memref<1024xi32, #tpu.memory_space<hbm>> -> memref<32xi32, #tpu.memory_space<hbm>>
      tpu.enqueue_dma source(%arg8 : memref<32xi32, #tpu.memory_space<vmem>>) target(%dma_start3A_311 : memref<32xi32, #tpu.memory_space<hbm>>) target_semaphore(%run_scoped3A : memref<!tpu.dma_semaphore, #tpu.memory_space<semaphore_mem>>)
      %dma_wait3A_312 = tpu.memref_slice %arg5[%mul3A_2] : memref<1024xi32, #tpu.memory_space<hbm>> -> memref<32xi32, #tpu.memory_space<hbm>>
      %dma_wait3A_313 = tpu.memref_slice %arg5[%mul3A_2] : memref<1024xi32, #tpu.memory_space<hbm>> -> memref<32xi32, #tpu.memory_space<hbm>>
      tpu.wait_dma2 semaphore(%run_scoped3A : memref<!tpu.dma_semaphore, #tpu.memory_space<semaphore_mem>>) src(%arg8 : memref<32xi32, #tpu.memory_space<vmem>>) dst(%dma_wait3A_313 : memref<32xi32, #tpu.memory_space<hbm>>)
      tpu.yield
    }) : () -> ()
    %dma_wait3A_8 = arith.constant 0 : i32
    %dma_wait3A_9 = arith.constant 0 : i32
    %dma_wait3A_10 = tpu.memref_slice %arg2[%dma_wait3A_8, %dma_wait3A_9] : memref<100000x1024xf32, #tpu.memory_space<hbm>> -> memref<100000x1024xf32, #tpu.memory_space<hbm>>
    tpu.wait_indirect_dma semaphore(%arg12 : memref<!tpu.dma_semaphore, #tpu.memory_space<semaphore_mem>>) src(%dma_wait3A_10 : memref<100000x1024xf32, #tpu.memory_space<hbm>>) dst(%arg9 : memref<32x1024xf32, #tpu.memory_space<vmem>>)
    %iota3A = tpu.iota {dimensions = array<i32: 0>} : vector<16xi32>
    %add3A_11 = arith.constant 0 : i32
    %add3A_12 = arith.addi %mul3A_2, %add3A_11 : i32
    %broadcast_in_dim3A = arith.constant 0.000000e+00 : f32
    %broadcast_in_dim3A_13 = vector.broadcast %broadcast_in_dim3A : f32 to vector<16xf32>
    %get3A = arith.constant 0 : i32
    %get3A_14 = arith.index_cast %get3A : i32 to index
    %get3A_15 = arith.index_cast %add3A_12 : i32 to index
    %get3A_16 = tpu.vector_load %arg9[%get3A_14, %get3A_15] {strides = array<i32>} : memref<32x1024xf32, #tpu.memory_space<vmem>>, vector<1x16xf32>,
    %get3A_17 = vector.shape_cast %get3A_16 : vector<1x16xf32> to vector<16xf32>
    %eq3A = arith.constant 0 : i32
    %eq3A_18 = vector.broadcast %eq3A : i32 to vector<16xi32>
    %eq3A_19 = arith.cmpi eq, %iota3A, %eq3A_18 : vector<16xi32>
    %select_n3A = arith.select %eq3A_19, %get3A_17, %broadcast_in_dim3A_13 : vector<16xi1>, vector<16xf32>
    %get3A_20 = arith.constant 1 : i32
    %get3A_21 = arith.index_cast %get3A_20 : i32 to index
    %get3A_22 = arith.index_cast %add3A_12 : i32 to index
    %get3A_23 = tpu.vector_load %arg9[%get3A_21, %get3A_22] {strides = array<i32>} : memref<32x1024xf32, #tpu.memory_space<vmem>>, vector<1x16xf32>,
    %get3A_24 = vector.shape_cast %get3A_23 : vector<1x16xf32> to vector<16xf32>
    %eq3A_25 = arith.constant 1 : i32
    %eq3A_26 = vector.broadcast %eq3A_25 : i32 to vector<16xi32>
    %eq3A_27 = arith.cmpi eq, %iota3A, %eq3A_26 : vector<16xi32>
    %select_n3A_28 = arith.select %eq3A_27, %get3A_24, %select_n3A : vector<16xi1>, vector<16xf32>
    %get3A_29 = arith.constant 2 : i32
    %get3A_30 = arith.index_cast %get3A_29 : i32 to index
    %get3A_31 = arith.index_cast %add3A_12 : i32 to index
    %get3A_32 = tpu.vector_load %arg9[%get3A_30, %get3A_31] {strides = array<i32>} : memref<32x1024xf32, #tpu.memory_space<vmem>>, vector<1x16xf32>,
    %get3A_33 = vector.shape_cast %get3A_32 : vector<1x16xf32> to vector<16xf32>
    %eq3A_34 = arith.constant 2 : i32
    %eq3A_35 = vector.broadcast %eq3A_34 : i32 to vector<16xi32>
    %eq3A_36 = arith.cmpi eq, %iota3A, %eq3A_35 : vector<16xi32>
    %select_n3A_37 = arith.select %eq3A_36, %get3A_33, %select_n3A_28 : vector<16xi1>, vector<16xf32>
    %get3A_38 = arith.constant 3 : i32
    %get3A_39 = arith.index_cast %get3A_38 : i32 to index
    %get3A_40 = arith.index_cast %add3A_12 : i32 to index
    %get3A_41 = tpu.vector_load %arg9[%get3A_39, %get3A_40] {strides = array<i32>} : memref<32x1024xf32, #tpu.memory_space<vmem>>, vector<1x16xf32>,
    %get3A_42 = vector.shape_cast %get3A_41 : vector<1x16xf32> to vector<16xf32>
    %eq3A_43 = arith.constant 3 : i32
    %eq3A_44 = vector.broadcast %eq3A_43 : i32 to vector<16xi32>
    %eq3A_45 = arith.cmpi eq, %iota3A, %eq3A_44 : vector<16xi32>
    %select_n3A_46 = arith.select %eq3A_45, %get3A_42, %select_n3A_37 : vector<16xi1>, vector<16xf32>
    %get3A_47 = arith.constant 4 : i32
    %get3A_48 = arith.index_cast %get3A_47 : i32 to index
    %get3A_49 = arith.index_cast %add3A_12 : i32 to index
    %get3A_50 = tpu.vector_load %arg9[%get3A_48, %get3A_49] {strides = array<i32>} : memref<32x1024xf32, #tpu.memory_space<vmem>>, vector<1x16xf32>,
    %get3A_51 = vector.shape_cast %get3A_50 : vector<1x16xf32> to vector<16xf32>
    %eq3A_52 = arith.constant 4 : i32
    %eq3A_53 = vector.broadcast %eq3A_52 : i32 to vector<16xi32>
    %eq3A_54 = arith.cmpi eq, %iota3A, %eq3A_53 : vector<16xi32>
    %select_n3A_55 = arith.select %eq3A_54, %get3A_51, %select_n3A_46 : vector<16xi1>, vector<16xf32>
    %get3A_56 = arith.constant 5 : i32
    %get3A_57 = arith.index_cast %get3A_56 : i32 to index
    %get3A_58 = arith.index_cast %add3A_12 : i32 to index
    %get3A_59 = tpu.vector_load %arg9[%get3A_57, %get3A_58] {strides = array<i32>} : memref<32x1024xf32, #tpu.memory_space<vmem>>, vector<1x16xf32>,
    %get3A_60 = vector.shape_cast %get3A_59 : vector<1x16xf32> to vector<16xf32>
    %eq3A_61 = arith.constant 5 : i32
    %eq3A_62 = vector.broadcast %eq3A_61 : i32 to vector<16xi32>
    %eq3A_63 = arith.cmpi eq, %iota3A, %eq3A_62 : vector<16xi32>
    %select_n3A_64 = arith.select %eq3A_63, %get3A_60, %select_n3A_55 : vector<16xi1>, vector<16xf32>
    %get3A_65 = arith.constant 6 : i32
    %get3A_66 = arith.index_cast %get3A_65 : i32 to index
    %get3A_67 = arith.index_cast %add3A_12 : i32 to index
    %get3A_68 = tpu.vector_load %arg9[%get3A_66, %get3A_67] {strides = array<i32>} : memref<32x1024xf32, #tpu.memory_space<vmem>>, vector<1x16xf32>,
    %get3A_69 = vector.shape_cast %get3A_68 : vector<1x16xf32> to vector<16xf32>
    %eq3A_70 = arith.constant 6 : i32
    %eq3A_71 = vector.broadcast %eq3A_70 : i32 to vector<16xi32>
    %eq3A_72 = arith.cmpi eq, %iota3A, %eq3A_71 : vector<16xi32>
    %select_n3A_73 = arith.select %eq3A_72, %get3A_69, %select_n3A_64 : vector<16xi1>, vector<16xf32>
    %get3A_74 = arith.constant 7 : i32
    %get3A_75 = arith.index_cast %get3A_74 : i32 to index
    %get3A_76 = arith.index_cast %add3A_12 : i32 to index
    %get3A_77 = tpu.vector_load %arg9[%get3A_75, %get3A_76] {strides = array<i32>} : memref<32x1024xf32, #tpu.memory_space<vmem>>, vector<1x16xf32>,
    %get3A_78 = vector.shape_cast %get3A_77 : vector<1x16xf32> to vector<16xf32>
    %eq3A_79 = arith.constant 7 : i32
    %eq3A_80 = vector.broadcast %eq3A_79 : i32 to vector<16xi32>
    %eq3A_81 = arith.cmpi eq, %iota3A, %eq3A_80 : vector<16xi32>
    %select_n3A_82 = arith.select %eq3A_81, %get3A_78, %select_n3A_73 : vector<16xi1>, vector<16xf32>
    %get3A_83 = arith.constant 8 : i32
    %get3A_84 = arith.index_cast %get3A_83 : i32 to index
    %get3A_85 = arith.index_cast %add3A_12 : i32 to index
    %get3A_86 = tpu.vector_load %arg9[%get3A_84, %get3A_85] {strides = array<i32>} : memref<32x1024xf32, #tpu.memory_space<vmem>>, vector<1x16xf32>,
    %get3A_87 = vector.shape_cast %get3A_86 : vector<1x16xf32> to vector<16xf32>
    %eq3A_88 = arith.constant 8 : i32
    %eq3A_89 = vector.broadcast %eq3A_88 : i32 to vector<16xi32>
    %eq3A_90 = arith.cmpi eq, %iota3A, %eq3A_89 : vector<16xi32>
    %select_n3A_91 = arith.select %eq3A_90, %get3A_87, %select_n3A_82 : vector<16xi1>, vector<16xf32>
    %get3A_92 = arith.constant 9 : i32
    %get3A_93 = arith.index_cast %get3A_92 : i32 to index
    %get3A_94 = arith.index_cast %add3A_12 : i32 to index
    %get3A_95 = tpu.vector_load %arg9[%get3A_93, %get3A_94] {strides = array<i32>} : memref<32x1024xf32, #tpu.memory_space<vmem>>, vector<1x16xf32>,
    %get3A_96 = vector.shape_cast %get3A_95 : vector<1x16xf32> to vector<16xf32>
    %eq3A_97 = arith.constant 9 : i32
    %eq3A_98 = vector.broadcast %eq3A_97 : i32 to vector<16xi32>
    %eq3A_99 = arith.cmpi eq, %iota3A, %eq3A_98 : vector<16xi32>
    %select_n3A_100 = arith.select %eq3A_99, %get3A_96, %select_n3A_91 : vector<16xi1>, vector<16xf32>
    %get3A_101 = arith.constant 10 : i32
    %get3A_102 = arith.index_cast %get3A_101 : i32 to index
    %get3A_103 = arith.index_cast %add3A_12 : i32 to index
    %get3A_104 = tpu.vector_load %arg9[%get3A_102, %get3A_103] {strides = array<i32>} : memref<32x1024xf32, #tpu.memory_space<vmem>>, vector<1x16xf32>,
    %get3A_105 = vector.shape_cast %get3A_104 : vector<1x16xf32> to vector<16xf32>
    %eq3A_106 = arith.constant 10 : i32
    %eq3A_107 = vector.broadcast %eq3A_106 : i32 to vector<16xi32>
    %eq3A_108 = arith.cmpi eq, %iota3A, %eq3A_107 : vector<16xi32>
    %select_n3A_109 = arith.select %eq3A_108, %get3A_105, %select_n3A_100 : vector<16xi1>, vector<16xf32>
    %get3A_110 = arith.constant 11 : i32
    %get3A_111 = arith.index_cast %get3A_110 : i32 to index
    %get3A_112 = arith.index_cast %add3A_12 : i32 to index
    %get3A_113 = tpu.vector_load %arg9[%get3A_111, %get3A_112] {strides = array<i32>} : memref<32x1024xf32, #tpu.memory_space<vmem>>, vector<1x16xf32>,
    %get3A_114 = vector.shape_cast %get3A_113 : vector<1x16xf32> to vector<16xf32>
    %eq3A_115 = arith.constant 11 : i32
    %eq3A_116 = vector.broadcast %eq3A_115 : i32 to vector<16xi32>
    %eq3A_117 = arith.cmpi eq, %iota3A, %eq3A_116 : vector<16xi32>
    %select_n3A_118 = arith.select %eq3A_117, %get3A_114, %select_n3A_109 : vector<16xi1>, vector<16xf32>
    %get3A_119 = arith.constant 12 : i32
    %get3A_120 = arith.index_cast %get3A_119 : i32 to index
    %get3A_121 = arith.index_cast %add3A_12 : i32 to index
    %get3A_122 = tpu.vector_load %arg9[%get3A_120, %get3A_121] {strides = array<i32>} : memref<32x1024xf32, #tpu.memory_space<vmem>>, vector<1x16xf32>,
    %get3A_123 = vector.shape_cast %get3A_122 : vector<1x16xf32> to vector<16xf32>
    %eq3A_124 = arith.constant 12 : i32
    %eq3A_125 = vector.broadcast %eq3A_124 : i32 to vector<16xi32>
    %eq3A_126 = arith.cmpi eq, %iota3A, %eq3A_125 : vector<16xi32>
    %select_n3A_127 = arith.select %eq3A_126, %get3A_123, %select_n3A_118 : vector<16xi1>, vector<16xf32>
    %get3A_128 = arith.constant 13 : i32
    %get3A_129 = arith.index_cast %get3A_128 : i32 to index
    %get3A_130 = arith.index_cast %add3A_12 : i32 to index
    %get3A_131 = tpu.vector_load %arg9[%get3A_129, %get3A_130] {strides = array<i32>} : memref<32x1024xf32, #tpu.memory_space<vmem>>, vector<1x16xf32>,
    %get3A_132 = vector.shape_cast %get3A_131 : vector<1x16xf32> to vector<16xf32>
    %eq3A_133 = arith.constant 13 : i32
    %eq3A_134 = vector.broadcast %eq3A_133 : i32 to vector<16xi32>
    %eq3A_135 = arith.cmpi eq, %iota3A, %eq3A_134 : vector<16xi32>
    %select_n3A_136 = arith.select %eq3A_135, %get3A_132, %select_n3A_127 : vector<16xi1>, vector<16xf32>
    %get3A_137 = arith.constant 14 : i32
    %get3A_138 = arith.index_cast %get3A_137 : i32 to index
    %get3A_139 = arith.index_cast %add3A_12 : i32 to index
    %get3A_140 = tpu.vector_load %arg9[%get3A_138, %get3A_139] {strides = array<i32>} : memref<32x1024xf32, #tpu.memory_space<vmem>>, vector<1x16xf32>,
    %get3A_141 = vector.shape_cast %get3A_140 : vector<1x16xf32> to vector<16xf32>
    %eq3A_142 = arith.constant 14 : i32
    %eq3A_143 = vector.broadcast %eq3A_142 : i32 to vector<16xi32>
    %eq3A_144 = arith.cmpi eq, %iota3A, %eq3A_143 : vector<16xi32>
    %select_n3A_145 = arith.select %eq3A_144, %get3A_141, %select_n3A_136 : vector<16xi1>, vector<16xf32>
    %get3A_146 = arith.constant 15 : i32
    %get3A_147 = arith.index_cast %get3A_146 : i32 to index
    %get3A_148 = arith.index_cast %add3A_12 : i32 to index
    %get3A_149 = tpu.vector_load %arg9[%get3A_147, %get3A_148] {strides = array<i32>} : memref<32x1024xf32, #tpu.memory_space<vmem>>, vector<1x16xf32>,
    %get3A_150 = vector.shape_cast %get3A_149 : vector<1x16xf32> to vector<16xf32>
    %eq3A_151 = arith.constant 15 : i32
    %eq3A_152 = vector.broadcast %eq3A_151 : i32 to vector<16xi32>
    %eq3A_153 = arith.cmpi eq, %iota3A, %eq3A_152 : vector<16xi32>
    %select_n3A_154 = arith.select %eq3A_153, %get3A_150, %select_n3A_145 : vector<16xi1>, vector<16xf32>
    %swap3A = arith.constant 0 : index
    %swap3A_155 = tpu.vector_load %arg10[%swap3A] {strides = array<i32>} : memref<32xf32, #tpu.memory_space<vmem>>, vector<16xf32>,
    %swap3A_156 = vector.shape_cast %swap3A_155 : vector<16xf32> to vector<16xf32>
    %swap3A_157 = vector.shape_cast %select_n3A_154 : vector<16xf32> to vector<16xf32>
    tpu.vector_store %arg10[%swap3A], %swap3A_157 {strides = array<i32>} : memref<32xf32, #tpu.memory_space<vmem>>, vector<16xf32>,
    %add3A_158 = arith.constant 16 : i32
    %add3A_159 = arith.addi %mul3A_2, %add3A_158 : i32
    %broadcast_in_dim3A_160 = arith.constant 0.000000e+00 : f32
    %broadcast_in_dim3A_161 = vector.broadcast %broadcast_in_dim3A_160 : f32 to vector<16xf32>
    %get3A_162 = arith.constant 16 : i32
    %get3A_163 = arith.index_cast %get3A_162 : i32 to index
    %get3A_164 = arith.index_cast %add3A_159 : i32 to index
    %get3A_165 = tpu.vector_load %arg9[%get3A_163, %get3A_164] {strides = array<i32>} : memref<32x1024xf32, #tpu.memory_space<vmem>>, vector<1x16xf32>,
    %get3A_166 = vector.shape_cast %get3A_165 : vector<1x16xf32> to vector<16xf32>
    %eq3A_167 = arith.constant 0 : i32
    %eq3A_168 = vector.broadcast %eq3A_167 : i32 to vector<16xi32>
    %eq3A_169 = arith.cmpi eq, %iota3A, %eq3A_168 : vector<16xi32>
    %select_n3A_170 = arith.select %eq3A_169, %get3A_166, %broadcast_in_dim3A_161 : vector<16xi1>, vector<16xf32>
    %get3A_171 = arith.constant 17 : i32
    %get3A_172 = arith.index_cast %get3A_171 : i32 to index
    %get3A_173 = arith.index_cast %add3A_159 : i32 to index
    %get3A_174 = tpu.vector_load %arg9[%get3A_172, %get3A_173] {strides = array<i32>} : memref<32x1024xf32, #tpu.memory_space<vmem>>, vector<1x16xf32>,
    %get3A_175 = vector.shape_cast %get3A_174 : vector<1x16xf32> to vector<16xf32>
    %eq3A_176 = arith.constant 1 : i32
    %eq3A_177 = vector.broadcast %eq3A_176 : i32 to vector<16xi32>
    %eq3A_178 = arith.cmpi eq, %iota3A, %eq3A_177 : vector<16xi32>
    %select_n3A_179 = arith.select %eq3A_178, %get3A_175, %select_n3A_170 : vector<16xi1>, vector<16xf32>
    %get3A_180 = arith.constant 18 : i32
    %get3A_181 = arith.index_cast %get3A_180 : i32 to index
    %get3A_182 = arith.index_cast %add3A_159 : i32 to index
    %get3A_183 = tpu.vector_load %arg9[%get3A_181, %get3A_182] {strides = array<i32>} : memref<32x1024xf32, #tpu.memory_space<vmem>>, vector<1x16xf32>,
    %get3A_184 = vector.shape_cast %get3A_183 : vector<1x16xf32> to vector<16xf32>
    %eq3A_185 = arith.constant 2 : i32
    %eq3A_186 = vector.broadcast %eq3A_185 : i32 to vector<16xi32>
    %eq3A_187 = arith.cmpi eq, %iota3A, %eq3A_186 : vector<16xi32>
    %select_n3A_188 = arith.select %eq3A_187, %get3A_184, %select_n3A_179 : vector<16xi1>, vector<16xf32>
    %get3A_189 = arith.constant 19 : i32
    %get3A_190 = arith.index_cast %get3A_189 : i32 to index
    %get3A_191 = arith.index_cast %add3A_159 : i32 to index
    %get3A_192 = tpu.vector_load %arg9[%get3A_190, %get3A_191] {strides = array<i32>} : memref<32x1024xf32, #tpu.memory_space<vmem>>, vector<1x16xf32>,
    %get3A_193 = vector.shape_cast %get3A_192 : vector<1x16xf32> to vector<16xf32>
    %eq3A_194 = arith.constant 3 : i32
    %eq3A_195 = vector.broadcast %eq3A_194 : i32 to vector<16xi32>
    %eq3A_196 = arith.cmpi eq, %iota3A, %eq3A_195 : vector<16xi32>
    %select_n3A_197 = arith.select %eq3A_196, %get3A_193, %select_n3A_188 : vector<16xi1>, vector<16xf32>
    %get3A_198 = arith.constant 20 : i32
    %get3A_199 = arith.index_cast %get3A_198 : i32 to index
    %get3A_200 = arith.index_cast %add3A_159 : i32 to index
    %get3A_201 = tpu.vector_load %arg9[%get3A_199, %get3A_200] {strides = array<i32>} : memref<32x1024xf32, #tpu.memory_space<vmem>>, vector<1x16xf32>,
    %get3A_202 = vector.shape_cast %get3A_201 : vector<1x16xf32> to vector<16xf32>
    %eq3A_203 = arith.constant 4 : i32
    %eq3A_204 = vector.broadcast %eq3A_203 : i32 to vector<16xi32>
    %eq3A_205 = arith.cmpi eq, %iota3A, %eq3A_204 : vector<16xi32>
    %select_n3A_206 = arith.select %eq3A_205, %get3A_202, %select_n3A_197 : vector<16xi1>, vector<16xf32>
    %get3A_207 = arith.constant 21 : i32
    %get3A_208 = arith.index_cast %get3A_207 : i32 to index
    %get3A_209 = arith.index_cast %add3A_159 : i32 to index
    %get3A_210 = tpu.vector_load %arg9[%get3A_208, %get3A_209] {strides = array<i32>} : memref<32x1024xf32, #tpu.memory_space<vmem>>, vector<1x16xf32>,
    %get3A_211 = vector.shape_cast %get3A_210 : vector<1x16xf32> to vector<16xf32>
    %eq3A_212 = arith.constant 5 : i32
    %eq3A_213 = vector.broadcast %eq3A_212 : i32 to vector<16xi32>
    %eq3A_214 = arith.cmpi eq, %iota3A, %eq3A_213 : vector<16xi32>
    %select_n3A_215 = arith.select %eq3A_214, %get3A_211, %select_n3A_206 : vector<16xi1>, vector<16xf32>
    %get3A_216 = arith.constant 22 : i32
    %get3A_217 = arith.index_cast %get3A_216 : i32 to index
    %get3A_218 = arith.index_cast %add3A_159 : i32 to index
    %get3A_219 = tpu.vector_load %arg9[%get3A_217, %get3A_218] {strides = array<i32>} : memref<32x1024xf32, #tpu.memory_space<vmem>>, vector<1x16xf32>,
    %get3A_220 = vector.shape_cast %get3A_219 : vector<1x16xf32> to vector<16xf32>
    %eq3A_221 = arith.constant 6 : i32
    %eq3A_222 = vector.broadcast %eq3A_221 : i32 to vector<16xi32>
    %eq3A_223 = arith.cmpi eq, %iota3A, %eq3A_222 : vector<16xi32>
    %select_n3A_224 = arith.select %eq3A_223, %get3A_220, %select_n3A_215 : vector<16xi1>, vector<16xf32>
    %get3A_225 = arith.constant 23 : i32
    %get3A_226 = arith.index_cast %get3A_225 : i32 to index
    %get3A_227 = arith.index_cast %add3A_159 : i32 to index
    %get3A_228 = tpu.vector_load %arg9[%get3A_226, %get3A_227] {strides = array<i32>} : memref<32x1024xf32, #tpu.memory_space<vmem>>, vector<1x16xf32>,
    %get3A_229 = vector.shape_cast %get3A_228 : vector<1x16xf32> to vector<16xf32>
    %eq3A_230 = arith.constant 7 : i32
    %eq3A_231 = vector.broadcast %eq3A_230 : i32 to vector<16xi32>
    %eq3A_232 = arith.cmpi eq, %iota3A, %eq3A_231 : vector<16xi32>
    %select_n3A_233 = arith.select %eq3A_232, %get3A_229, %select_n3A_224 : vector<16xi1>, vector<16xf32>
    %get3A_234 = arith.constant 24 : i32
    %get3A_235 = arith.index_cast %get3A_234 : i32 to index
    %get3A_236 = arith.index_cast %add3A_159 : i32 to index
    %get3A_237 = tpu.vector_load %arg9[%get3A_235, %get3A_236] {strides = array<i32>} : memref<32x1024xf32, #tpu.memory_space<vmem>>, vector<1x16xf32>,
    %get3A_238 = vector.shape_cast %get3A_237 : vector<1x16xf32> to vector<16xf32>
    %eq3A_239 = arith.constant 8 : i32
    %eq3A_240 = vector.broadcast %eq3A_239 : i32 to vector<16xi32>
    %eq3A_241 = arith.cmpi eq, %iota3A, %eq3A_240 : vector<16xi32>
    %select_n3A_242 = arith.select %eq3A_241, %get3A_238, %select_n3A_233 : vector<16xi1>, vector<16xf32>
    %get3A_243 = arith.constant 25 : i32
    %get3A_244 = arith.index_cast %get3A_243 : i32 to index
    %get3A_245 = arith.index_cast %add3A_159 : i32 to index
    %get3A_246 = tpu.vector_load %arg9[%get3A_244, %get3A_245] {strides = array<i32>} : memref<32x1024xf32, #tpu.memory_space<vmem>>, vector<1x16xf32>,
    %get3A_247 = vector.shape_cast %get3A_246 : vector<1x16xf32> to vector<16xf32>
    %eq3A_248 = arith.constant 9 : i32
    %eq3A_249 = vector.broadcast %eq3A_248 : i32 to vector<16xi32>
    %eq3A_250 = arith.cmpi eq, %iota3A, %eq3A_249 : vector<16xi32>
    %select_n3A_251 = arith.select %eq3A_250, %get3A_247, %select_n3A_242 : vector<16xi1>, vector<16xf32>
    %get3A_252 = arith.constant 26 : i32
    %get3A_253 = arith.index_cast %get3A_252 : i32 to index
    %get3A_254 = arith.index_cast %add3A_159 : i32 to index
    %get3A_255 = tpu.vector_load %arg9[%get3A_253, %get3A_254] {strides = array<i32>} : memref<32x1024xf32, #tpu.memory_space<vmem>>, vector<1x16xf32>,
    %get3A_256 = vector.shape_cast %get3A_255 : vector<1x16xf32> to vector<16xf32>
    %eq3A_257 = arith.constant 10 : i32
    %eq3A_258 = vector.broadcast %eq3A_257 : i32 to vector<16xi32>
    %eq3A_259 = arith.cmpi eq, %iota3A, %eq3A_258 : vector<16xi32>
    %select_n3A_260 = arith.select %eq3A_259, %get3A_256, %select_n3A_251 : vector<16xi1>, vector<16xf32>
    %get3A_261 = arith.constant 27 : i32
    %get3A_262 = arith.index_cast %get3A_261 : i32 to index
    %get3A_263 = arith.index_cast %add3A_159 : i32 to index
    %get3A_264 = tpu.vector_load %arg9[%get3A_262, %get3A_263] {strides = array<i32>} : memref<32x1024xf32, #tpu.memory_space<vmem>>, vector<1x16xf32>,
    %get3A_265 = vector.shape_cast %get3A_264 : vector<1x16xf32> to vector<16xf32>
    %eq3A_266 = arith.constant 11 : i32
    %eq3A_267 = vector.broadcast %eq3A_266 : i32 to vector<16xi32>
    %eq3A_268 = arith.cmpi eq, %iota3A, %eq3A_267 : vector<16xi32>
    %select_n3A_269 = arith.select %eq3A_268, %get3A_265, %select_n3A_260 : vector<16xi1>, vector<16xf32>
    %get3A_270 = arith.constant 28 : i32
    %get3A_271 = arith.index_cast %get3A_270 : i32 to index
    %get3A_272 = arith.index_cast %add3A_159 : i32 to index
    %get3A_273 = tpu.vector_load %arg9[%get3A_271, %get3A_272] {strides = array<i32>} : memref<32x1024xf32, #tpu.memory_space<vmem>>, vector<1x16xf32>,
    %get3A_274 = vector.shape_cast %get3A_273 : vector<1x16xf32> to vector<16xf32>
    %eq3A_275 = arith.constant 12 : i32
    %eq3A_276 = vector.broadcast %eq3A_275 : i32 to vector<16xi32>
    %eq3A_277 = arith.cmpi eq, %iota3A, %eq3A_276 : vector<16xi32>
    %select_n3A_278 = arith.select %eq3A_277, %get3A_274, %select_n3A_269 : vector<16xi1>, vector<16xf32>
    %get3A_279 = arith.constant 29 : i32
    %get3A_280 = arith.index_cast %get3A_279 : i32 to index
    %get3A_281 = arith.index_cast %add3A_159 : i32 to index
    %get3A_282 = tpu.vector_load %arg9[%get3A_280, %get3A_281] {strides = array<i32>} : memref<32x1024xf32, #tpu.memory_space<vmem>>, vector<1x16xf32>,
    %get3A_283 = vector.shape_cast %get3A_282 : vector<1x16xf32> to vector<16xf32>
    %eq3A_284 = arith.constant 13 : i32
    %eq3A_285 = vector.broadcast %eq3A_284 : i32 to vector<16xi32>
    %eq3A_286 = arith.cmpi eq, %iota3A, %eq3A_285 : vector<16xi32>
    %select_n3A_287 = arith.select %eq3A_286, %get3A_283, %select_n3A_278 : vector<16xi1>, vector<16xf32>
    %get3A_288 = arith.constant 30 : i32
    %get3A_289 = arith.index_cast %get3A_288 : i32 to index
    %get3A_290 = arith.index_cast %add3A_159 : i32 to index
    %get3A_291 = tpu.vector_load %arg9[%get3A_289, %get3A_290] {strides = array<i32>} : memref<32x1024xf32, #tpu.memory_space<vmem>>, vector<1x16xf32>,
    %get3A_292 = vector.shape_cast %get3A_291 : vector<1x16xf32> to vector<16xf32>
    %eq3A_293 = arith.constant 14 : i32
    %eq3A_294 = vector.broadcast %eq3A_293 : i32 to vector<16xi32>
    %eq3A_295 = arith.cmpi eq, %iota3A, %eq3A_294 : vector<16xi32>
    %select_n3A_296 = arith.select %eq3A_295, %get3A_292, %select_n3A_287 : vector<16xi1>, vector<16xf32>
    %get3A_297 = arith.constant 31 : i32
    %get3A_298 = arith.index_cast %get3A_297 : i32 to index
    %get3A_299 = arith.index_cast %add3A_159 : i32 to index
    %get3A_300 = tpu.vector_load %arg9[%get3A_298, %get3A_299] {strides = array<i32>} : memref<32x1024xf32, #tpu.memory_space<vmem>>, vector<1x16xf32>,
    %get3A_301 = vector.shape_cast %get3A_300 : vector<1x16xf32> to vector<16xf32>
    %eq3A_302 = arith.constant 15 : i32
    %eq3A_303 = vector.broadcast %eq3A_302 : i32 to vector<16xi32>
    %eq3A_304 = arith.cmpi eq, %iota3A, %eq3A_303 : vector<16xi32>
    %select_n3A_305 = arith.select %eq3A_304, %get3A_301, %select_n3A_296 : vector<16xi1>, vector<16xf32>
    %swap3A_306 = arith.constant 16 : index
    %swap3A_307 = tpu.vector_load %arg10[%swap3A_306] {strides = array<i32>} : memref<32xf32, #tpu.memory_space<vmem>>, vector<16xf32>,
    %swap3A_308 = vector.shape_cast %swap3A_307 : vector<16xf32> to vector<16xf32>
    %swap3A_309 = vector.shape_cast %select_n3A_305 : vector<16xf32> to vector<16xf32>
    tpu.vector_store %arg10[%swap3A_306], %swap3A_309 {strides = array<i32>} : memref<32xf32, #tpu.memory_space<vmem>>, vector<16xf32>,
    "tpu.region"() ({
      %run_scoped3A = tpu.sem_alloc : memref<!tpu.dma_semaphore, #tpu.memory_space<semaphore_mem>>
      %dma_start3A_310 = tpu.memref_slice %arg6[%mul3A_2] : memref<1024xf32, #tpu.memory_space<hbm>> -> memref<32xf32, #tpu.memory_space<hbm>>
      %dma_start3A_311 = tpu.memref_slice %arg6[%mul3A_2] : memref<1024xf32, #tpu.memory_space<hbm>> -> memref<32xf32, #tpu.memory_space<hbm>>
      tpu.enqueue_dma source(%arg10 : memref<32xf32, #tpu.memory_space<vmem>>) target(%dma_start3A_311 : memref<32xf32, #tpu.memory_space<hbm>>) target_semaphore(%run_scoped3A : memref<!tpu.dma_semaphore, #tpu.memory_space<semaphore_mem>>)
      %dma_wait3A_312 = tpu.memref_slice %arg6[%mul3A_2] : memref<1024xf32, #tpu.memory_space<hbm>> -> memref<32xf32, #tpu.memory_space<hbm>>
      %dma_wait3A_313 = tpu.memref_slice %arg6[%mul3A_2] : memref<1024xf32, #tpu.memory_space<hbm>> -> memref<32xf32, #tpu.memory_space<hbm>>
      tpu.wait_dma2 semaphore(%run_scoped3A : memref<!tpu.dma_semaphore, #tpu.memory_space<semaphore_mem>>) src(%arg10 : memref<32xf32, #tpu.memory_space<vmem>>) dst(%dma_wait3A_313 : memref<32xf32, #tpu.memory_space<hbm>>)
      tpu.yield
    }) : () -> ()
    return
  }
}

module attributes {stable_mosaic.version = 14 : i64} {
  func.func @body(%arg0: i32, %arg1: memref<2048x1024xf32, #tpu.memory_space<vmem>>, %arg2: memref<1x2048xi32, #tpu.memory_space<vmem>>, %arg3: memref<1x1024xi32, #tpu.memory_space<vmem>>, %arg4: memref<1x1024xf32, #tpu.memory_space<vmem>>, %arg5: memref<1x1xf32, #tpu.memory_space<smem>>, %arg6: memref<128x1024xf32, #tpu.memory_space<vmem>>) attributes {dimension_semantics = [#tpu.dimension_semantics<arbitrary>], iteration_bounds = array<i64: 49>, scalar_prefetch = 0 : i64, scratch_operands = 1 : i64, tpu.core_type = #tpu.core_type<tc>, window_params = [{transform_indices = @transform_0, window_bounds = array<i64: 2048, 1024>}, {transform_indices = @transform_1, window_bounds = array<i64: 1, 2048>}, {pipeline_mode = #tpu.pipeline_mode<synchronous>, transform_indices = @transform_2, window_bounds = array<i64: 1, 1024>}, {pipeline_mode = #tpu.pipeline_mode<synchronous>, transform_indices = @transform_3, window_bounds = array<i64: 1, 1024>}, {transform_indices = @transform_4, window_bounds = array<i64: 1, 1>}]} {
    %iota3A = tpu.iota {dimensions = array<i32: 0>} : vector<128x1xi32>
    %eq3A = arith.constant 0 : i32
    %eq3A_0 = arith.cmpi eq, %arg0, %eq3A : i32
    %convert_element_type3A = arith.extui %eq3A_0 : i1 to i32
    %cond3A = arith.constant 0 : i32
    %cond3A_1 = arith.cmpi ne, %convert_element_type3A, %cond3A : i32
    scf.if %cond3A_1 {
      %broadcast_in_dim3A = arith.constant 0.000000e+00 : f32
      %broadcast_in_dim3A_26 = vector.broadcast %broadcast_in_dim3A : f32 to vector<128x1024xf32>
      %swap3A = arith.constant 0 : index
      %swap3A_27 = arith.constant 0 : index
      %swap3A_28 = vector.load %arg6[%swap3A, %swap3A_27] : memref<128x1024xf32, #tpu.memory_space<vmem>>, vector<128x1024xf32>
      tpu.vector_store %arg6[%swap3A, %swap3A_27], %broadcast_in_dim3A_26 {strides = array<i32>} : memref<128x1024xf32, #tpu.memory_space<vmem>>, vector<128x1024xf32>,
    } else {
    }
    %get3A = arith.constant 0 : index
    %get3A_2 = arith.constant 0 : index
    %get3A_3 = vector.load %arg1[%get3A, %get3A_2] : memref<2048x1024xf32, #tpu.memory_space<vmem>>, vector<2048x1024xf32>
    %exp3A = math.exp %get3A_3 : vector<2048x1024xf32>
    %get3A_4 = arith.constant 0 : index
    %get3A_5 = arith.constant 0 : index
    %get3A_6 = vector.load %arg2[%get3A_4, %get3A_5] : memref<1x2048xi32, #tpu.memory_space<vmem>>, vector<1x2048xi32>
    %eq3A_7 = vector.broadcast %get3A_6 : vector<1x2048xi32> to vector<128x2048xi32>
    %eq3A_8 = vector.broadcast %iota3A : vector<128x1xi32> to vector<128x2048xi32>
    %eq3A_9 = arith.cmpi eq, %eq3A_7, %eq3A_8 : vector<128x2048xi32>
    %eq3A_10 = arith.constant 127 : i32
    %eq3A_11 = vector.broadcast %eq3A_10 : i32 to vector<128x1xi32>
    %eq3A_12 = arith.cmpi eq, %iota3A, %eq3A_11 : vector<128x1xi32>
    %or3A = vector.broadcast %eq3A_12 : vector<128x1xi1> to vector<128x2048xi1>
    %or3A_13 = arith.ori %eq3A_9, %or3A : vector<128x2048xi1>
    %convert_element_type3A_14 = arith.extui %or3A_13 : vector<128x2048xi1> to vector<128x2048xi32>
    %convert_element_type3A_15 = arith.sitofp %convert_element_type3A_14 : vector<128x2048xi32> to vector<128x2048xf32>
    %convert_element_type3A_16 = arith.truncf %convert_element_type3A_15 : vector<128x2048xf32> to vector<128x2048xbf16>
    %lt3A = arith.constant 48 : i32
    %lt3A_17 = arith.cmpi slt, %arg0, %lt3A : i32
    %convert_element_type3A_18 = arith.extui %lt3A_17 : i1 to i32
    %cond3A_19 = arith.constant 0 : i32
    %cond3A_20 = arith.cmpi ne, %convert_element_type3A_18, %cond3A_19 : i32
    scf.if %cond3A_20 {
      %get3A_26 = arith.constant 0 : index
      %get3A_27 = arith.constant 0 : index
      %get3A_28 = vector.load %arg6[%get3A_26, %get3A_27] : memref<128x1024xf32, #tpu.memory_space<vmem>>, vector<128x1024xf32>
      %convert_element_type3A_29 = arith.truncf %exp3A : vector<2048x1024xf32> to vector<2048x1024xbf16>
      %dot_general3A = arith.constant dense<0.000000e+00> : vector<128x1024xf32>
      %dot_general3A_30 = tpu.matmul %convert_element_type3A_16, %convert_element_type3A_29, %dot_general3A {dimension_numbers = #tpu.dot_dimension_numbers<[1], [0], [0], [1], [0, 0, 1, 1], [], []>, transpose_lhs_hint = false} : vector<128x2048xbf16>, vector<2048x1024xbf16>, vector<128x1024xf32> -> vector<128x1024xf32>
      %add3A = arith.addf %get3A_28, %dot_general3A_30 : vector<128x1024xf32>
      %swap3A = arith.constant 0 : index
      %swap3A_31 = arith.constant 0 : index
      %swap3A_32 = vector.load %arg6[%swap3A, %swap3A_31] : memref<128x1024xf32, #tpu.memory_space<vmem>>, vector<128x1024xf32>
      tpu.vector_store %arg6[%swap3A, %swap3A_31], %add3A {strides = array<i32>} : memref<128x1024xf32, #tpu.memory_space<vmem>>, vector<128x1024xf32>,
    } else {
    }
    %eq3A_21 = arith.constant 48 : i32
    %eq3A_22 = arith.cmpi eq, %arg0, %eq3A_21 : i32
    %convert_element_type3A_23 = arith.extui %eq3A_22 : i1 to i32
    %cond3A_24 = arith.constant 0 : i32
    %cond3A_25 = arith.cmpi ne, %convert_element_type3A_23, %cond3A_24 : i32
    scf.if %cond3A_25 {
      %iota3A_26 = tpu.iota {dimensions = array<i32: 0>} : vector<2048x1xi32>
      %ge3A = arith.constant 1696 : i32
      %ge3A_27 = vector.broadcast %ge3A : i32 to vector<2048x1xi32>
      %ge3A_28 = arith.cmpi sge, %iota3A_26, %ge3A_27 : vector<2048x1xi32>
      %jit3A = arith.constant 0.000000e+00 : f32
      %broadcast_in_dim3A = vector.shape_cast %ge3A_28 : vector<2048x1xi1> to vector<2048x1xi1>
      %broadcast_in_dim3A_29 = vector.broadcast %broadcast_in_dim3A : vector<2048x1xi1> to vector<2048x1024xi1>
      %broadcast_in_dim3A_30 = vector.broadcast %jit3A : f32 to vector<2048x1024xf32>
      %select_n3A = arith.select %broadcast_in_dim3A_29, %broadcast_in_dim3A_30, %exp3A : vector<2048x1024xi1>, vector<2048x1024xf32>
      %get3A_31 = arith.constant 0 : index
      %get3A_32 = arith.constant 0 : index
      %get3A_33 = vector.load %arg6[%get3A_31, %get3A_32] : memref<128x1024xf32, #tpu.memory_space<vmem>>, vector<128x1024xf32>
      %convert_element_type3A_34 = arith.truncf %select_n3A : vector<2048x1024xf32> to vector<2048x1024xbf16>
      %dot_general3A = arith.constant dense<0.000000e+00> : vector<128x1024xf32>
      %dot_general3A_35 = tpu.matmul %convert_element_type3A_16, %convert_element_type3A_34, %dot_general3A {dimension_numbers = #tpu.dot_dimension_numbers<[1], [0], [0], [1], [0, 0, 1, 1], [], []>, transpose_lhs_hint = false} : vector<128x2048xbf16>, vector<2048x1024xbf16>, vector<128x1024xf32> -> vector<128x1024xf32>
      %add3A = arith.addf %get3A_33, %dot_general3A_35 : vector<128x1024xf32>
      %get3A_36 = arith.constant 0 : index
      %get3A_37 = arith.constant 0 : index
      %get3A_38 = vector.load %arg4[%get3A_36, %get3A_37] : memref<1x1024xf32, #tpu.memory_space<vmem>>, vector<1x1024xf32>
      %exp3A_39 = math.exp %get3A_38 : vector<1x1024xf32>
      %convert_element_type3A_40 = arith.truncf %exp3A_39 : vector<1x1024xf32> to vector<1x1024xbf16>
      %convert_element_type3A_41 = arith.extf %convert_element_type3A_40 : vector<1x1024xbf16> to vector<1x1024xf32>
      %get3A_42 = arith.constant 0 : index
      %get3A_43 = arith.constant 0 : index
      %get3A_44 = vector.load %arg3[%get3A_42, %get3A_43] : memref<1x1024xi32, #tpu.memory_space<vmem>>, vector<1x1024xi32>
      %eq3A_45 = vector.broadcast %get3A_44 : vector<1x1024xi32> to vector<128x1024xi32>
      %eq3A_46 = vector.broadcast %iota3A : vector<128x1xi32> to vector<128x1024xi32>
      %eq3A_47 = arith.cmpi eq, %eq3A_45, %eq3A_46 : vector<128x1024xi32>
      %jit3A_48 = arith.constant 0.000000e+00 : f32
      %broadcast_in_dim3A_49 = vector.broadcast %jit3A_48 : f32 to vector<128x1024xf32>
      %select_n3A_50 = arith.select %eq3A_47, %add3A, %broadcast_in_dim3A_49 : vector<128x1024xi1>, vector<128x1024xf32>
      %reduce_sum3A = arith.constant dense<0.000000e+00> : vector<1024xf32>
      %reduce_sum3A_51 = vector.multi_reduction <add>, %select_n3A_50, %reduce_sum3A [0] : vector<128x1024xf32> to vector<1024xf32>
      %broadcast_in_dim3A_52 = vector.shape_cast %reduce_sum3A_51 : vector<1024xf32> to vector<1x1024xf32>
      %sub3A = arith.subf %broadcast_in_dim3A_52, %convert_element_type3A_41 : vector<1x1024xf32>
      %slice3A = vector.extract_strided_slice %add3A {offsets = [127, 0], sizes = [1, 1024], strides = [1, 1]} : vector<128x1024xf32> to vector<1x1024xf32>
      %sub3A_53 = arith.subf %slice3A, %convert_element_type3A_41 : vector<1x1024xf32>
      %div3A = arith.divf %sub3A, %sub3A_53 : vector<1x1024xf32>
      %ne3A = arith.constant 0.000000e+00 : f32
      %ne3A_54 = vector.broadcast %ne3A : f32 to vector<1x1024xf32>
      %ne3A_55 = arith.cmpf one, %sub3A, %ne3A_54 : vector<1x1024xf32>
      %jit3A_56 = arith.constant 1.000000e+00 : f32
      %broadcast_in_dim3A_57 = vector.broadcast %jit3A_56 : f32 to vector<1x1024xf32>
      %select_n3A_58 = arith.select %ne3A_55, %div3A, %broadcast_in_dim3A_57 : vector<1x1024xi1>, vector<1x1024xf32>
      %log3A = math.log %select_n3A_58 : vector<1x1024xf32>
      %jit3A_59 = arith.constant 0.000000e+00 : f32
      %broadcast_in_dim3A_60 = vector.broadcast %jit3A_59 : f32 to vector<1x1024xf32>
      %select_n3A_61 = arith.select %ne3A_55, %log3A, %broadcast_in_dim3A_60 : vector<1x1024xi1>, vector<1x1024xf32>
      %reduce_sum3A_62 = vector.shape_cast %select_n3A_61 : vector<1x1024xf32> to vector<1x1x1024xf32>
      %reduce_sum3A_63 = arith.constant dense<0.000000e+00> : vector<1xf32>
      %reduce_sum3A_64 = vector.multi_reduction <add>, %reduce_sum3A_62, %reduce_sum3A_63 [1, 2] : vector<1x1x1024xf32> to vector<1xf32>
      %reduce_sum3A_65 = vector.shape_cast %reduce_sum3A_64 : vector<1xf32> to vector<1x1x1xf32>
      %reduce_sum3A_66 = vector.extract %reduce_sum3A_65[0, 0, 0] : f32 from vector<1x1x1xf32>
      %neg3A = arith.constant 0.000000e+00 : f32
      %neg3A_67 = arith.subf %neg3A, %reduce_sum3A_66 : f32
      %div3A_68 = arith.constant 1.024000e+03 : f32
      %div3A_69 = arith.divf %neg3A_67, %div3A_68 : f32
      %swap3A = arith.constant 0 : index
      %swap3A_70 = arith.constant 0 : index
      %swap3A_71 = memref.load %arg5[%swap3A, %swap3A_70] : memref<1x1xf32, #tpu.memory_space<smem>>
      memref.store %div3A_69, %arg5[%swap3A, %swap3A_70] : memref<1x1xf32, #tpu.memory_space<smem>>
    } else {
    }
    return
  }
  func.func @transform_0(%arg0: i32) -> (i32, i32) {
    %c0_i32 = arith.constant 0 : i32
    %c0_i32_0 = arith.constant 0 : i32
    return %arg0, %c0_i32 : i32, i32
  }
  func.func @transform_1(%arg0: i32) -> (i32, i32) {
    %c0_i32 = arith.constant 0 : i32
    %c0_i32_0 = arith.constant 0 : i32
    return %c0_i32, %arg0 : i32, i32
  }
  func.func @transform_2(%arg0: i32) -> (i32, i32) {
    %c0_i32 = arith.constant 0 : i32
    %c0_i32_0 = arith.constant 0 : i32
    %c0_i32_1 = arith.constant 0 : i32
    return %c0_i32, %c0_i32_0 : i32, i32
  }
  func.func @transform_3(%arg0: i32) -> (i32, i32) {
    %c0_i32 = arith.constant 0 : i32
    %c0_i32_0 = arith.constant 0 : i32
    %c0_i32_1 = arith.constant 0 : i32
    return %c0_i32, %c0_i32_0 : i32, i32
  }
  func.func @transform_4(%arg0: i32) -> (i32, i32) {
    %c0_i32 = arith.constant 0 : i32
    %c0_i32_0 = arith.constant 0 : i32
    %c0_i32_1 = arith.constant 0 : i32
    return %c0_i32, %c0_i32_0 : i32, i32
  }
}

</mosaic_0001>

<sc_bundles>
// kernel: kernel.4.cloned.1.call-start
scs
__scs_entry_jumppad:
0x0: {  	(pc) =	sbr.rel $0x88, $3  }
0x1: {  	(tag) =	ssettag $0x0;
	lr =	simm.s32 $0x1  }
0x2: {  	[smem:$0x3F9E] =	sst lr;
	_ =	strace $0xD0000000  }
0x3: {  	_ = 	snop  }
0x4: {  	_ = 	snop  }
0x5: {  	_ = 	snop  }
0x6: {  	_ = 	snop  }
0x7: {  	_ = 	snop  }
__scs_overlays_trampoline_lowered:
0x8: {  	[smem:$0x3FAD] =	sst s0  }
0x9: {  	[smem:$0x3FAE] =	sst s1  }
0xa: {  	[smem:$0x3FAF] =	sst s2  }
0xb: {  	[smem:$0x3FB0] =	sst s3  }
0xc: {  	[smem:$0x3FB1] =	sst s4  }
0xd: {  	[smem:$0x3FB2] =	sst s5  }
0xe: {  	[smem:$0x3FB3] =	sst s6  }
0xf: {  	[smem:$0x3FB4] =	sst s7  }
0x10: {  	[smem:$0x3FB5] =	sst s8  }
0x11: {  	[smem:$0x3FB6] =	sst s9;
	s0 =	simm.s32 @!p0 $0x0  }
0x12: {  	s1 =	sld [smem:$0x3F9C];
	s0 =	simm.s32 @p0 $0x1  }
0x13: {  	[smem:$0x3FB7] =	sst s0;
	s0 =	simm.s32 @!p1 $0x0  }
0x14: {  	s2 =	sld [smem:$0x3F9B];
	s0 =	simm.s32 @p1 $0x1  }
0x15: {  	[smem:$0x3FB8] =	sst s0;
	s0 =	simm.s32 @!p2 $0x0  }
0x16: {  	s3 =	sld [smem:$0x3FDB];
	s0 =	simm.s32 @p2 $0x1  }
0x17: {  	s4 =	simm.s32 $0x1BF5;
	[smem:$0x3FBA] =	sst s0  }
0x18: {  	s0 =	sld [smem:$0x3F9D];
	_ =	swait.ge [sflag:s4], $0x0  }
0x19: {  	s7 =	sld [smem:$0x3F9E]  }
0x1a: {  	s8 =	sadd.s32 $0xFFFFE003, lr  }
0x1b: {  	s9 =	sadd.s32 $0xFFFFFEF7, lr;
	s5 =	simm.s32 $0xFFFFFFFF;
	p2 =	slt.u32 s8, $0xFFFFF086  }
0x1c: {  	p1 =	slt.u32 s9, $0xF7A;
	s5 =	simm.s32 @!p2 $0x0  }
0x1d: {  	s5 =	simm.s32 @p1 $0x1;
	p0 =	seq.s32 s7, s2  }
0x1e: {  	s7 =	smul.u32 @!p0 $0xF7A, s2;
	p2 =	seq.s32 @!p0 s5, $0x0  }
0x1f: {  	s9 =	smul.u32 $0xF7A, s1;
	s8 =	simm.s32 @!p0 $0x1BF5;
	p2 =	por !p2, p0  }
0x20: {  	[sflag:s8] =	ssyncset.s32 @!p0 $0xFFFFF086;
	s6 =	sadd.s32 @!p0 s3, s7;
	s7 =	simm.s32 @!p0 $0x108  }
0x21: {  	s3 =	sadd.s32 s3, s9;
	s6 =	sadd.s32 @!p0 $0x88, s6;
	s7 =	simm.s32 @p2 $0x1082  }
0x22: {  	[simem:s7], [sflag:s8] =	dma.local @!p0 [hbm:s6], $0xF7A  }
0x23: {  	s9 =	sor.u32 $0xD0000000, s2;
	s6 =	simm.s32 $0x108;
	_ =	swait.ge @!p0 [sflag:s8], $0x0  }
0x24: {  	s3 =	sadd.s32 $0x88, s3;
	s6 =	simm.s32 @!p1 $0x1082;
	[sflag:s4] =	ssyncset.s32 $0xFFFFF086  }
0x25: {  	[simem:s6], [sflag:s4] =	dma.local [hbm:s3], $0xF7A  }
0x26: {  	[smem:$0x3F9E] =	sst s1;
	(tag) =	ssettag s2;
	_ =	strace s9  }
0x27: {  	s1 =	sld [smem:$0x3FAE]  }
0x28: {  	s2 =	sld [smem:$0x3FAF]  }
0x29: {  	s4 =	sld [smem:$0x3FB1]  }
0x2a: {  	p0 =	seq.s32 s5, $0x0;
	s5 =	sld [smem:$0x3FB2]  }
0x2b: {  	s6 =	sld [smem:$0x3FB3]  }
0x2c: {  	s7 =	sld [smem:$0x3FB4]  }
0x2d: {  	s3 =	simm.s32 $0x108;
	s8 =	sld [smem:$0x3FB5]  }
0x2e: {  	s3 =	simm.s32 @!p0 $0x1082;
	s9 =	sld [smem:$0x3FB6]  }
0x2f: {  	lr =	sadd.s32 s0, s3;
	s0 =	sld [smem:$0x3FAD]  }
0x30: {  	s3 =	sld [smem:$0x3FB0]  }
0x31: {  	[smem:$0x3FB9] =	sst s10  }
0x32: {  	s10 =	sld [smem:$0x3FB7];
	_ =	sdelay $0x3  }
0x33: {  	p0 =	seq.s32 s10, $0x1;
	s10 =	sld [smem:$0x3FB9];
	_ =	sdelay $0x3  }
0x34: {  	[smem:$0x3FB9] =	sst s10  }
0x35: {  	s10 =	sld [smem:$0x3FB8];
	_ =	sdelay $0x3  }
0x36: {  	p1 =	seq.s32 s10, $0x1;
	s10 =	sld [smem:$0x3FB9];
	_ =	sdelay $0x3  }
0x37: {  	[smem:$0x3FB9] =	sst s10  }
0x38: {  	s10 =	sld [smem:$0x3FBA]  }
0x39: {  	_ = 	snop;
	(pc) =	sbr.ind lr, $3  }
0x3a: {  	_ = 	snop  }
0x3b: {  	_ = 	snop  }
0x3c: {  	p2 =	seq.s32 s10, $0x1;
	s10 =	sld [smem:$0x3FB9]  }
0x3d: {  	_ =	shalt  }
0x3e: {  	_ =	shalt  }
0x3f: {  	_ =	shalt  }
0x40: {  	_ =	shalt  }
0x41: {  	_ =	shalt  }
0x42: {  	_ =	shalt  }
0x43: {  	_ =	shalt  }
0x44: {  	_ =	shalt  }
0x45: {  	_ =	shalt  }
0x46: {  	_ =	shalt  }
0x47: {  	_ =	shalt  }
0x48: {  	_ =	shalt  }
0x49: {  	_ =	shalt  }
0x4a: {  	_ =	shalt  }
0x4b: {  	_ =	shalt  }
0x4c: {  	_ =	shalt  }
0x4d: {  	_ =	shalt  }
0x4e: {  	_ =	shalt  }
0x4f: {  	_ =	shalt  }
0x50: {  	_ =	shalt  }
0x51: {  	_ =	shalt  }
0x52: {  	_ =	shalt  }
0x53: {  	_ =	shalt  }
0x54: {  	_ =	shalt  }
0x55: {  	_ =	shalt  }
0x56: {  	_ =	shalt  }
0x57: {  	_ =	shalt  }
0x58: {  	_ =	shalt  }
0x59: {  	_ =	shalt  }
0x5a: {  	_ =	shalt  }
0x5b: {  	_ =	shalt  }
0x5c: {  	_ =	shalt  }
0x5d: {  	_ =	shalt  }
0x5e: {  	_ =	shalt  }
0x5f: {  	_ =	shalt  }
0x60: {  	_ =	shalt  }
0x61: {  	_ =	shalt  }
0x62: {  	_ =	shalt  }
0x63: {  	_ =	shalt  }
0x64: {  	_ =	shalt  }
0x65: {  	_ =	shalt  }
0x66: {  	_ =	shalt  }
0x67: {  	_ =	shalt  }
0x68: {  	_ =	shalt  }
0x69: {  	_ =	shalt  }
0x6a: {  	_ =	shalt  }
0x6b: {  	_ =	shalt  }
0x6c: {  	_ =	shalt  }
0x6d: {  	_ =	shalt  }
0x6e: {  	_ =	shalt  }
0x6f: {  	_ =	shalt  }
0x70: {  	_ =	shalt  }
0x71: {  	_ =	shalt  }
0x72: {  	_ =	shalt  }
0x73: {  	_ =	shalt  }
0x74: {  	_ =	shalt  }
0x75: {  	_ =	shalt  }
0x76: {  	_ =	shalt  }
0x77: {  	_ =	shalt  }
0x78: {  	_ =	shalt  }
0x79: {  	_ =	shalt  }
0x7a: {  	_ =	shalt  }
0x7b: {  	_ =	shalt  }
0x7c: {  	_ =	shalt  }
0x7d: {  	_ =	shalt  }
0x7e: {  	_ =	shalt  }
0x7f: {  	_ =	shalt  }
0x80: {  	_ =	shalt  }
0x81: {  	_ =	shalt  }
0x82: {  	_ =	shalt  }
0x83: {  	_ =	shalt  }
0x84: {  	_ =	shalt  }
0x85: {  	_ =	shalt  }
0x86: {  	_ =	shalt  }
0x87: {  	_ =	shalt  }
.Lfunc_end0:
.L_simem_size_0:
called_computation_lowered:
.L_overlay_start_0:
0x88: {  	s2 =	sld [smem:$0x3FD9]  }
0x89: {  	s3 =	sld [smem:$0x3FFE];
	_ =	sdelay $0x1  }
0x8a: {  	s1 =	srdreg.scid  }
0x8b: {  	s0 =	sand.u32 $0x1, s1  }
0x8c: {  	s17 =	sshll.u32 s0, $0xA;
	s2 =	sadd.s32 s3, s2  }
0x8d: {  	s2 =	sadd.s32 s2, s17  }
0x8e: {  	[smem:$0x3FC5] =	sst s2  }
0x8f: {  	_ = 	snop  }
0x90: {  	s2 =	sld [smem:$0x3FC9]  }
0x91: {  	s18 =	sld [smem:$0x3FC8]  }
0x92: {  	s4 =	sld [smem:$0x3FC7];
	(tm) =	ssettm $0x1  }
0x93: {  	s5 =	sld [smem:$0x3FFB];
	_ =	sdelay $0x3  }
0x94: {  	_ =	strace s5  }
0x95: {  	s5 =	sld [smem:$0x3FFC];
	_ =	sdelay $0x3  }
0x96: {  	_ =	strace s5  }
0x97: {  	s5 =	sld [smem:$0x3FFD];
	_ =	sdelay $0x3  }
0x98: {  	_ =	strace s5  }
0x99: {  	_ =	strace $0x8FFFFFFF  }
0x9a: {  	s19 =	sld [smem:$0x3FDB];
	_ =	sdelay $0x1  }
0x9b: {  	s6 =	simm.s32 $_scs_section_size  }
0x9c: {  	s7 =	simm.s32 $_size__tile_overlayer_lowered;
	s8 =	simm.s32 $_tile_overlayer_lowered  }
0x9d: {  	s22 =	simm.s32 $0x1BFF;
	s21 =	sshll.u32 s8, $0x1;
	s5 =	sadd.s32 s6, s19  }
0x9e: {  	s9 =	simm.s32 $0x0;
	s20 =	sshll.u32 s7, $0x1;
	s7 =	sadd.s32 s21, s5  }
0x9f: {  	[timem:s9], [sflag:s22] =	dma.local [hbm:s7], s20  }
0xa0: {  	_ =	swait.ge [sflag:s22], s20  }
0xa1: {  	s6 =	ssub.s32 $0x0, s20;
	[sflag:s22] =	ssyncset.done $0x0  }
0xa2: {  	[sflag:s22] =	ssyncadd.s32 s6;
	_ =	sdelay $0x1  }
0xa3: {  	s23 =	simm.s32 $0x1B8B  }
0xa4: {  	_ =	swait.ge [sflag:s23], $0x1  }
0xa5: {  	[sflag:s23] =	ssyncset.done $0x0  }
0xa6: {  	s25 =	simm.s32 $0x1B8E;
	s24 =	sld [smem:$0x3FFE];
	[sflag:s23] =	ssyncadd.s32 $0xFFFFFFFF  }
0xa7: {  	s26 =	simm.s32 $execute0_lowered;
	[smem:$0x3FD2] =	sst s25  }
0xa8: {  	s7 =	sshll.u32 s26, $0x1;
	_ =	strace $0x80000046;
	[dreg:$0x1] =	wrdreg $0xFFFFFFFF  }
0xa9: {  	s28 =	simm.s32 $_size_execute0_lowered;
	s5 =	sadd.s32 s5, s7;
	[dreg:$0x0] =	wrdreg $0x0  }
0xaa: {  	s7 =	sshll.u32 s28, $0x1;
	[dreg:$0x2] =	wrdreg s5  }
0xab: {  	[dreg:$0x3] =	wrdreg s7  }
0xac: {  	[dreg:$0x4] =	wrdreg $0xC0  }
0xad: {  	_ =	task [dreg:s9], $0x5FFFF  }
0xae: {  	[dreg:$0x1] =	wrdreg $0xFFFFFFFF  }
0xaf: {  	[dreg:$0x0] =	wrdreg $0x60  }
0xb0: {  	[dreg:$0x2] =	wrdreg s2  }
0xb1: {  	[dreg:$0x3] =	wrdreg s18  }
0xb2: {  	[dreg:$0x4] =	wrdreg s4  }
0xb3: {  	[dreg:$0x5] =	wrdreg s24  }
0xb4: {  	[dreg:$0x6] =	wrdreg $0x9  }
0xb5: {  	_ =	task.clear_ibuf [dreg:s9], $0x7FFFF;
	_ =	strace $0x90000046  }
0xb6: {  	s29 =	simm.s32 $0x9;
	_ =	strace $0x80000048  }
0xb7: {  	_ =	swait.ge [sflag:s29], $0x1  }
0xb8: {  	[sflag:s29] =	ssyncadd.s32 $0xFFFFFFFF  }
0xb9: {  	_ =	strace $0x90000048  }
0xba: {  	_ =	sfence  }
0xbb: {  	s30 =	sld [smem:$0x0];
	_ =	sdelay $0x2  }
0xbc: {  	s31 =	sshll.u32 s1, $0xD;
	s1 =	sshrl.u32 s1, $0x2  }
0xbd: {  	s3 =	sand.u32 $0x4000, s31;
	s1 =	sadd.s32 s1, s30  }
0xbe: {  	s0 =	sor.u32 s3, s0;
	s1 =	sshll.u32 s1, $0x11  }
0xbf: {  	s0 =	sor.u32 s1, s0  }
0xc0: {  	s0 =	sadd.s32 $0x8F2B, s0  }
0xc1: {  	[sflag:s0] =	ssyncadd.remote.s32 $0x1  }
0xc2: {  	_ =	sfence.sel $0xFFFF  }
0xc3: {  	[dreg:$0x0] =	wrdreg $0xFFFFFFFF;
	(pc) =	sbr.abs _section_cstart, $3  }
0xc4: {  	[dreg:$0x1] =	wrdreg $0xFFFFFFFF  }
0xc5: {  	_ =	task.clear_ibuf [dreg:s9], $0x2FFFF;
	_ =	strace $0x9FFFFFFF  }
0xc6: {  	(tm) =	ssettm $0x7FFFFFFF  }
0xc7: {  	_ =	shalt  }
tec
execute0_lowered:
.L_overlay_start_1:
0x0: {  	(tag) =	ssettag $0x1  }
0x1: {  	s0 =	rddreg [dreg:$0x0]  }
0x2: {  	s2 =	rddreg [dreg:$0x1]  }
0x3: {  	s1 =	rddreg [dreg:$0x2]  }
0x4: {  	s3 =	srdreg.scid;
	s4 =	rddreg [dreg:$0x3]  }
0x5: {  	s21 =	stileid.u32;
	[dreg:$0x5] =	wrdreg s1;
	s5 =	sand.u32 $0x1, s3  }
0x6: {  	s6 =	sshll.u32 s21, $0x6;
	s3 =	simm.s32 $0x0;
	s7 =	sshll.u32 s5, $0x5  }
0x7: {  	[smem:$0x7FF] =	sst s3;
	s6 =	sor.u32 s7, s6  }
0x8: {  	_ =	strace $0x80000047;
	s7 =	sshrl.u32 s6, $0x3;
	s22 =	sand.u32 $0x60, s6  }
0x9: {  	s23 =	sshll.u32 s6, $0x3;
	s9 =	sadd.s32 s7, s4;
	s2 =	sadd.s32 s2, s7  }
0xa: {  	s8 =	sor.u32 s22, s23;
	[dreg:$0x6] =	wrdreg s2;
	s24 =	sadd.s32 $0xE00, s9  }
0xb: {  	s25 =	sor.u32 s6, s23;
	s26 =	sor.u32 $0x300, s8;
	[dreg:$0x7] =	wrdreg s24  }
0xc: {  	s4 =	sand.u32 $0x1C60, s25;
	s1 =	sor.u32 $0x380, s8;
	[dreg:$0x8] =	wrdreg s26  }
0xd: {  	[dreg:$0x9] =	wrdreg s1;
	s6 =	sor.u32 $0x2100, s4  }
0xe: {  	s7 =	sor.u32 $0x2180, s4;
	[dreg:$0xa] =	wrdreg s6  }
0xf: {  	s8 =	sor.u32 $0x2200, s4;
	[dreg:$0xb] =	wrdreg s7  }
0x10: {  	s10 =	sor.u32 $0x2280, s4;
	[dreg:$0xc] =	wrdreg s8  }
0x11: {  	s11 =	sor.u32 $0x2300, s4;
	[dreg:$0xd] =	wrdreg s10  }
0x12: {  	s12 =	sor.u32 $0x2380, s4;
	[dreg:$0xe] =	wrdreg s11  }
0x13: {  	s13 =	sor.u32 $0x4110, s4;
	[dreg:$0xf] =	wrdreg s12  }
0x14: {  	s14 =	sor.u32 $0x4190, s4;
	[dreg:$0x10] =	wrdreg s13  }
0x15: {  	s28 =	simm.s32 $0x20;
	s15 =	sor.u32 $0x4210, s4;
	[dreg:$0x11] =	wrdreg s14  }
0x16: {  	s29 =	simm.s32 $0x80;
	s16 =	sor.u32 $0x4290, s4;
	[dreg:$0x12] =	wrdreg s15  }
0x17: {  	s30 =	simm.s32 $0x1;
	s17 =	sor.u32 $0x4310, s4;
	[dreg:$0x13] =	wrdreg s16  }
0x18: {  	s31 =	simm.s32 $0x2;
	s18 =	sor.u32 $0x4390, s4;
	[dreg:$0x14] =	wrdreg s17  }
0x19: {  	s5 =	ssub.s32 $0x2, s5;
	s19 =	sor.u32 $0x6110, s4;
	[dreg:$0x15] =	wrdreg s18  }
0x1a: {  	s20 =	sshrl.u32 s5, $0x1;
	s21 =	sor.u32 $0x6190, s4;
	[dreg:$0x16] =	wrdreg s19  }
0x1b: {  	s2 =	simm.s32 $0x8100;
	s22 =	sor.u32 $0x6210, s4;
	[dreg:$0x17] =	wrdreg s21  }
0x1c: {  	s23 =	sor.u32 $0x6290, s4;
	s24 =	sor.u32 $0x6310, s4;
	[dreg:$0x18] =	wrdreg s22  }
0x1d: {  	s25 =	sor.u32 $0x6390, s4;
	s26 =	sadd.s32 $0x1000, s9;
	[dreg:$0x19] =	wrdreg s23  }
0x1e: {  	s10 =	ssub.s32 s5, s20;
	s5 =	sadd.s32 $0x100, s0;
	[dreg:$0x1a] =	wrdreg s24  }
0x1f: {  	v2 =	vlaneseq.u32;
	vm0 =	vmmov $0xffff;
	vm1 =	vmmov $0x1;
	s6 =	sadd.s32 $0x200, s0;
	s7 =	sadd.s32 $0x300, s0;
	[dreg:$0x1b] =	wrdreg s25  }
0x20: {  	vm2 =	vmmov $0x3;
	vm3 =	vmmov $0x7;
	vm4 =	vmmov $0xf;
	s8 =	sor.u32 $0x100, s4;
	[dreg:$0x1c] =	wrdreg s26;
	s13 =	simm.s32 $0x1100  }
0x21: {  	vm5 =	vmmov $0x1f;
	vm6 =	vmmov $0x3f;
	vm7 =	vmmov $0x7f;
	s14 =	simm.s32 $0x1900;
	s15 =	simm.s32 $0x2100;
	s16 =	simm.s32 $0x2900  }
0x22: {  	vm8 =	vmmov $0xff;
	vm9 =	vmmov $0x1ff;
	vm10 =	vmmov $0x3ff;
	s17 =	simm.s32 $0x3100;
	s18 =	simm.s32 $0x3900;
	s19 =	simm.s32 $0x4100  }
0x23: {  	vm11 =	vmmov $0x7ff;
	vm12 =	vmmov $0xfff;
	vm13 =	vmmov $0x1fff;
	s20 =	simm.s32 $0x4900;
	s21 =	simm.s32 $0x5100;
	s22 =	simm.s32 $0x5900  }
0x24: {  	vm14 =	vmmov $0x3fff;
	vm15 =	vmmov $0x7fff;
	v1 =	vshrl.u32 v2, $0x3;
	s23 =	simm.s32 $0x6100;
	s24 =	simm.s32 $0x6900;
	s25 =	simm.s32 $0x7100  }
0x25: {  	v0 =	vand.u32 $0x7, v2;
	v2 =	vor.u32 $0x8, v2;
	v1 =	vmul.u32 $0x8, v1;
	s26 =	simm.s32 $0x7900;
	s9 =	smax.u32 s10, $0x1;
	s10 =	simm.s32 $0x3  }
.LBB2_1:
0x26: {  	s1 =	rddreg [dreg:$0x6]  }
0x27: {  	[tilespmem:s3], [sflag:$0x3] =	stream.linear.gather [hbm4b:s1+s3], $0x20, $0x38;
	[tilespmem:$0x8180] =	vst v63  }
0x28: {  	_ =	swait.ge [sflag:s10], $0x20  }
0x29: {  	[sflag:s10] =	ssyncset.done $0x0  }
0x2a: {  	[sflag:s10] =	ssyncadd.s32 $0xFFFFFFE0  }
0x2b: {  	v3 =	vld [tilespmem:$0x0];
	_ =	sdelay $0x4  }
0x2c: {  	v4 =	vshll.u32 v3, $0x3  }
0x2d: {  	v3 =	vand.u32 $0x7, v3;
	v4 =	vand.u32 $0xFFFFFFC0, v4  }
0x2e: {  	v3 =	vor.u32 v3, v4  }
0x2f: {  	v4 =	vperm.xlane v3, v0;
	_ =	sdelay $0x1  }
0x30: {  	v4 =	vadd.s32 v1, v4;
	_ =	sdelay $0x3  }
0x31: {  	s12 =	simm.s32 $0x100  }
0x32: {  	[tilespmem:s12], [sflag:$0x2] =	stream.indirect_vreg.gather [hbm4b:s0+s3], $0x80, v4, vm0, $0xb8;
	[tilespmem:$0x8180] =	vst v63  }
0x33: {  	s11 =	simm.s32 $0x900;
	v3 =	vperm.xlane v3, v2  }
0x34: {  	[tilespmem:s11], [sflag:$0x2] =	stream.indirect_vreg.gather [hbm4b:s5+s3], $0x80, v4, vm0, $0xb8;
	[tilespmem:$0x8180] =	vst v63  }
0x35: {  	v3 =	vadd.s32 v1, v3  }
0x36: {  	[tilespmem:s13], [sflag:$0x2] =	stream.indirect_vreg.gather [hbm4b:s6+s3], $0x80, v4, vm0, $0xb8;
	[tilespmem:$0x8180] =	vst v63  }
0x37: {  	_ = 	snop  }
0x38: {  	[tilespmem:s14], [sflag:$0x2] =	stream.indirect_vreg.gather [hbm4b:s7+s3], $0x80, v4, vm0, $0xb8;
	[tilespmem:$0x8180] =	vst v63  }
0x39: {  	_ = 	snop  }
0x3a: {  	[tilespmem:s15], [sflag:$0x2] =	stream.indirect_vreg.gather [hbm4b:s0+s3], $0x80, v3, vm0, $0xb8;
	[tilespmem:$0x8180] =	vst v63  }
0x3b: {  	_ = 	snop  }
0x3c: {  	[tilespmem:s16], [sflag:$0x2] =	stream.indirect_vreg.gather [hbm4b:s5+s3], $0x80, v3, vm0, $0xb8;
	[tilespmem:$0x8180] =	vst v63  }
0x3d: {  	_ = 	snop  }
0x3e: {  	[tilespmem:s17], [sflag:$0x2] =	stream.indirect_vreg.gather [hbm4b:s6+s3], $0x80, v3, vm0, $0xb8;
	[tilespmem:$0x8180] =	vst v63  }
0x3f: {  	_ = 	snop  }
0x40: {  	[tilespmem:s18], [sflag:$0x2] =	stream.indirect_vreg.gather [hbm4b:s7+s3], $0x80, v3, vm0, $0xb8;
	[tilespmem:$0x8180] =	vst v63  }
0x41: {  	v3 =	vld [tilespmem:$0x10];
	_ =	sdelay $0x4  }
0x42: {  	v38 =	vshll.u32 v3, $0x3  }
0x43: {  	v3 =	vand.u32 $0x7, v3;
	v4 =	vand.u32 $0xFFFFFFC0, v38  }
0x44: {  	v3 =	vor.u32 v3, v4  }
0x45: {  	v4 =	vperm.xlane v3, v0;
	_ =	sdelay $0x1  }
0x46: {  	v4 =	vadd.s32 v1, v4;
	_ =	sdelay $0x4  }
0x47: {  	[tilespmem:s19], [sflag:$0x2] =	stream.indirect_vreg.gather [hbm4b:s0+s3], $0x80, v4, vm0, $0xb8;
	[tilespmem:$0x8180] =	vst v63  }
0x48: {  	v3 =	vperm.xlane v3, v2  }
0x49: {  	[tilespmem:s20], [sflag:$0x2] =	stream.indirect_vreg.gather [hbm4b:s5+s3], $0x80, v4, vm0, $0xb8;
	[tilespmem:$0x8180] =	vst v63  }
0x4a: {  	v3 =	vadd.s32 v1, v3  }
0x4b: {  	[tilespmem:s21], [sflag:$0x2] =	stream.indirect_vreg.gather [hbm4b:s6+s3], $0x80, v4, vm0, $0xb8;
	[tilespmem:$0x8180] =	vst v63  }
0x4c: {  	_ = 	snop  }
0x4d: {  	[tilespmem:s22], [sflag:$0x2] =	stream.indirect_vreg.gather [hbm4b:s7+s3], $0x80, v4, vm0, $0xb8;
	[tilespmem:$0x8180] =	vst v63  }
0x4e: {  	_ = 	snop  }
0x4f: {  	[tilespmem:s23], [sflag:$0x2] =	stream.indirect_vreg.gather [hbm4b:s0+s3], $0x80, v3, vm0, $0xb8;
	[tilespmem:$0x8180] =	vst v63  }
0x50: {  	_ = 	snop  }
0x51: {  	[tilespmem:s24], [sflag:$0x2] =	stream.indirect_vreg.gather [hbm4b:s5+s3], $0x80, v3, vm0, $0xb8;
	[tilespmem:$0x8180] =	vst v63  }
0x52: {  	_ = 	snop  }
0x53: {  	[tilespmem:s25], [sflag:$0x2] =	stream.indirect_vreg.gather [hbm4b:s6+s3], $0x80, v3, vm0, $0xb8;
	[tilespmem:$0x8180] =	vst v63  }
0x54: {  	_ = 	snop  }
0x55: {  	[tilespmem:s26], [sflag:$0x2] =	stream.indirect_vreg.gather [hbm4b:s7+s3], $0x80, v3, vm0, $0xb8;
	[tilespmem:$0x8180] =	vst v63  }
0x56: {  	s12 =	rddreg [dreg:$0x5]  }
0x57: {  	[tilespmem:s29], [sflag:$0x1] =	stream.indirect.gather [hbm4b:s12+s28], $0x1, s3, s28, $0xb8;
	[tilespmem:$0x8180] =	vst v63  }
0x58: {  	_ =	swait.ge [sflag:s30], $0x20  }
0x59: {  	[sflag:s30] =	ssyncset.done $0x0  }
0x5a: {  	s11 =	rddreg [dreg:$0x7];
	[sflag:s30] =	ssyncadd.s32 $0xFFFFFFE0  }
0x5b: {  	[hbm4b:s11+s3] =	stream.linear.scatter [tilespmem:s29], [sflag:$0x3], $0x20, $0x38;
	[tilespmem:$0x8180] =	vst v63  }
0x5c: {  	_ =	swait.ge [sflag:s10], $0x20  }
0x5d: {  	[sflag:s10] =	ssyncset.done $0x0  }
0x5e: {  	[sflag:s10] =	ssyncadd.s32 $0xFFFFFFE0  }
0x5f: {  	_ =	swait.ge [sflag:s31], $0x8000  }
0x60: {  	[sflag:s31] =	ssyncset.done $0x0  }
0x61: {  	[sflag:s31] =	ssyncadd.s32 $0xFFFF8000  }
0x62: {  	v3 =	vld [tilespmem:s8+$0x0]  }
0x63: {  	v39 =	vld [tilespmem:s8+$0x80]  }
0x64: {  	v5 =	vld [tilespmem:s8+$0x100]  }
0x65: {  	v6 =	vld [tilespmem:s8+$0x180]  }
0x66: {  	v7 =	vld [tilespmem:s8+$0x200]  }
0x67: {  	s1 =	rddreg [dreg:$0x8];
	v8 =	vld [tilespmem:s8+$0x280]  }
0x68: {  	s11 =	rddreg [dreg:$0x9];
	v40 =	vld [tilespmem:s1+$0x100];
	v3 =	vsel vm1, v3, v39  }
0x69: {  	s12 =	rddreg [dreg:$0xa];
	v41 =	vld [tilespmem:s11+$0x100];
	v3 =	vsel vm2, v3, v5  }
0x6a: {  	s1 =	rddreg [dreg:$0xb];
	v42 =	vld [tilespmem:s12+$0x0];
	v3 =	vsel vm3, v3, v6  }
0x6b: {  	s11 =	rddreg [dreg:$0xc];
	v43 =	vld [tilespmem:s1+$0x0];
	v3 =	vsel vm4, v3, v7  }
0x6c: {  	s12 =	rddreg [dreg:$0xd];
	v44 =	vld [tilespmem:s11+$0x0];
	v3 =	vsel vm5, v3, v8  }
0x6d: {  	s1 =	rddreg [dreg:$0xe];
	v45 =	vld [tilespmem:s12+$0x0];
	v3 =	vsel vm6, v3, v40  }
0x6e: {  	s11 =	rddreg [dreg:$0xf];
	v46 =	vld [tilespmem:s1+$0x0];
	v3 =	vsel vm7, v3, v41  }
0x6f: {  	v47 =	vld [tilespmem:s11+$0x0];
	v3 =	vsel vm8, v3, v42  }
0x70: {  	v48 =	vld [tilespmem:s4+$0x2400];
	v3 =	vsel vm9, v3, v43  }
0x71: {  	v49 =	vld [tilespmem:s4+$0x2480];
	v3 =	vsel vm10, v3, v44  }
0x72: {  	v3 =	vsel vm11, v3, v45  }
0x73: {  	v3 =	vsel vm12, v3, v46  }
0x74: {  	v3 =	vsel vm13, v3, v47  }
0x75: {  	v3 =	vsel vm14, v3, v48  }
0x76: {  	v3 =	vsel vm15, v3, v49  }
0x77: {  	s1 =	rddreg [dreg:$0x10];
	[tilespmem:$0x8100] =	vst v3  }
0x78: {  	s11 =	rddreg [dreg:$0x11];
	v3 =	vld [tilespmem:s1+$0x0]  }
0x79: {  	s12 =	rddreg [dreg:$0x12];
	v50 =	vld [tilespmem:s11+$0x0]  }
0x7a: {  	s1 =	rddreg [dreg:$0x13];
	v51 =	vld [tilespmem:s12+$0x0]  }
0x7b: {  	s11 =	rddreg [dreg:$0x14];
	v52 =	vld [tilespmem:s1+$0x0]  }
0x7c: {  	s12 =	rddreg [dreg:$0x15];
	v53 =	vld [tilespmem:s11+$0x0]  }
0x7d: {  	v54 =	vld [tilespmem:s12+$0x0]  }
0x7e: {  	v55 =	vld [tilespmem:s4+$0x4410];
	v3 =	vsel vm1, v3, v50  }
0x7f: {  	v56 =	vld [tilespmem:s4+$0x4490];
	s1 =	rddreg [dreg:$0x16];
	v3 =	vsel vm2, v3, v51  }
0x80: {  	s11 =	rddreg [dreg:$0x17];
	v57 =	vld [tilespmem:s1+$0x0];
	v3 =	vsel vm3, v3, v52  }
0x81: {  	s12 =	rddreg [dreg:$0x18];
	v58 =	vld [tilespmem:s11+$0x0];
	v3 =	vsel vm4, v3, v53  }
0x82: {  	s1 =	rddreg [dreg:$0x19];
	v59 =	vld [tilespmem:s12+$0x0];
	v3 =	vsel vm5, v3, v54  }
0x83: {  	s11 =	rddreg [dreg:$0x1a];
	v9 =	vld [tilespmem:s1+$0x0];
	v3 =	vsel vm6, v3, v55  }
0x84: {  	s12 =	rddreg [dreg:$0x1b];
	v60 =	vld [tilespmem:s11+$0x0];
	v3 =	vsel vm7, v3, v56  }
0x85: {  	v61 =	vld [tilespmem:s12+$0x0];
	v3 =	vsel vm8, v3, v57  }
0x86: {  	v62 =	vld [tilespmem:s4+$0x6410];
	v3 =	vsel vm9, v3, v58  }
0x87: {  	v63 =	vld [tilespmem:s4+$0x6490];
	v3 =	vsel vm10, v3, v59  }
0x88: {  	v3 =	vsel vm11, v3, v9  }
0x89: {  	v3 =	vsel vm12, v3, v60  }
0x8a: {  	v3 =	vsel vm13, v3, v61  }
0x8b: {  	v3 =	vsel vm14, v3, v62  }
0x8c: {  	p0 =	sne.s32 s9, $0x1;
	v3 =	vsel vm15, v3, v63  }
.Ltmp0:
0x8d: {  	s12 =	rddreg [dreg:$0x1c];
	[tilespmem:$0x8110] =	vst v3;
	(pc) =	sbr.rel @p0 .LBB2_1-.Ltmp0, $4  }
0x8e: {  	[hbm4b:s12+s3] =	stream.linear.scatter [tilespmem:s2], [sflag:$0x3], $0x20, $0x38;
	[tilespmem:$0x8180] =	vst v63  }
0x8f: {  	_ =	swait.ge [sflag:s10], $0x20  }
0x90: {  	[sflag:s10] =	ssyncset.done $0x0  }
0x91: {  	s9 =	sadd.s32 $0xFFFFFFFF, s9;
	[sflag:s10] =	ssyncadd.s32 $0xFFFFFFE0  }
0x92: {  	_ =	sfence.sel $0x180000  }
0x93: {  	[bflag:$0x0] =	sbarrier.arrive $0xFFFF  }
0x94: {  	_ =	strace $0x90000047  }
0x95: {  	s0 =	stileid.u32;
	[bflag:$0x2] =	sbarrier.arrive $0xFFFF  }
0x96: {  	p0 =	sne.s32 s0, $0x0;
	s0 =	rddreg [dreg:$0x4]  }
0x97: {  	s0 =	sadd.s32 @!p0 $0x100000, s0  }
0x98: {  	[sflag:s0] =	ssyncadd.tile.s32 @!p0 $0x1;
	_ =	shalt  }
.Lfunc_end2:
_tile_overlayer_lowered:
.L_overlay_start_2:
0x99: {  	(tag) =	ssettag $0x2  }
0x9a: {  	s0 =	rddreg [dreg:$0x0];
	s2 =	stileid.u32  }
0x9b: {  	s1 =	rddreg [dreg:$0x1];
	p0 =	sne.s32 s2, $0x0  }
0x9c: {  	s3 =	rddreg [dreg:$0x2];
	[bflag:$0x3] =	sbarrier.arrive $0xFFFF;
	s2 =	simm.s32 @!p0 $0x1C03  }
0x9d: {  	[timem:s3], [sflag:s2] =	dma.local @!p0 [hbm:s0], s1  }
0x9e: {  	s0 =	simm.s32 @!p0 $0x3  }
0x9f: {  	_ =	swait.ge @!p0 [sflag:s0], s1  }
0xa0: {  	s1 =	ssub.s32 @!p0 $0x0, s1;
	[sflag:s0] =	ssyncset.done @!p0 $0x0  }
0xa1: {  	[sflag:s0] =	ssyncadd.s32 @!p0 s1  }
0xa2: {  	[bflag:$0x3] =	sbarrier.arrive $0xFFFF  }
0xa3: {  	_ =	shalt  }

</sc_bundles>
